<compile_context>
chip_gen: v7x
topology: tpu7x:2x2x1
jax: 0.10.2.dev20260603
libtpu: 0.0.44.dev20260713+nightly
codegen_flags: <defaults>
</compile_context>

<pallas_src>
import functools

import jax
import jax.numpy as jnp
from jax import lax
from jax.experimental import pallas as pl
from jax.experimental.pallas import tpu as pltpu
from jax.experimental.pallas import tpu_sc as plsc

B = 64
LAYERS = 3
STEPS = 3

NC = 2
NS = 16
NW = NC * NS



def _sc_mesh():
    return plsc.VectorSubcoreMesh(core_axis_name="c", subcore_axis_name="s",
                                  num_cores=NC, num_subcores=NS)


@functools.partial(jax.jit, static_argnames=("e_pad", "d"))
def _sc_gather(h, src2d, *, e_pad, d):
    epw = e_pad // NW
    ch = epw // 128

    @functools.partial(
        pl.kernel,
        mesh=_sc_mesh(),
        out_type=jax.ShapeDtypeStruct((e_pad, d), jnp.float32),
        scratch_types=[
            pltpu.VMEM((ch, 128), jnp.int32),
            pltpu.VMEM((128, d), jnp.float32),
            pltpu.SemaphoreType.DMA,
        ],
        compiler_params=pltpu.CompilerParams(use_tc_tiling_on_sc=False),
        name="mpnn_sc_gather",
    )
    def k(h_hbm, src_hbm, out_hbm, idx_v, rows_v, sem):
        wid = lax.axis_index("c") * NS + lax.axis_index("s")
        pltpu.sync_copy(src_hbm.at[pl.ds(wid * ch, ch)], idx_v)

        def body(j, carry):
            pltpu.async_copy(h_hbm.at[idx_v.at[j]], rows_v, sem).wait()
            pltpu.sync_copy(rows_v, out_hbm.at[pl.ds(wid * epw + j * 128, 128)])
            return carry

        lax.fori_loop(0, ch, body, 0)

    return k(h, src2d)


@functools.partial(jax.jit, static_argnames=("e_pad", "n_pad", "d"))
def _sc_scatter_add(msg, dst2d, zeros_nd, *, e_pad, n_pad, d):
    epw = e_pad // NW
    ch = epw // 128
    npt = n_pad // NS

    @functools.partial(
        pl.kernel,
        mesh=_sc_mesh(),
        out_type=jax.ShapeDtypeStruct((NC, n_pad, d), jnp.float32),
        scratch_types=[
            pltpu.VMEM((ch, 128), jnp.int32),
            pltpu.VMEM((128, d), jnp.float32),
            pltpu.VMEM_SHARED((n_pad, d), jnp.float32),
            pltpu.SemaphoreType.DMA,
        ],
        compiler_params=pltpu.CompilerParams(use_tc_tiling_on_sc=False),
        name="mpnn_sc_scatter",
    )
    def k(msg_hbm, dst_hbm, zero_hbm, out_hbm, idx_v, msg_v, acc_sh, sem):
        cid = lax.axis_index("c")
        sid = lax.axis_index("s")
        wid = cid * NS + sid
        pltpu.sync_copy(zero_hbm.at[pl.ds(sid * npt, npt)],
                        acc_sh.at[pl.ds(sid * npt, npt)])
        plsc.subcore_barrier()
        pltpu.sync_copy(dst_hbm.at[pl.ds(wid * ch, ch)], idx_v)

        def body(j, carry):
            pltpu.async_copy(msg_hbm.at[pl.ds(wid * epw + j * 128, 128)],
                             msg_v, sem).wait()
            pltpu.sync_copy(msg_v, acc_sh.at[idx_v.at[j]], add=True)
            return carry

        lax.fori_loop(0, ch, body, 0)
        plsc.subcore_barrier()
        pltpu.sync_copy(acc_sh.at[pl.ds(sid * npt, npt)],
                        out_hbm.at[cid, pl.ds(sid * npt, npt)])

    return k(msg, dst2d, zeros_nd)



def _make_msg_body(et):
    def _msg_body(attr_ref, hs_ref, ew1_ref, eb1_ref, qexp_ref, w2p_ref,
                  eb2_ref, out_ref):
        eh = jax.nn.relu(
            jnp.dot(attr_ref[...], ew1_ref[...],
                    preferred_element_type=jnp.float32) + eb1_ref[...])
        hs = hs_ref[...]
        hs_rep = jnp.dot(hs.astype(jnp.bfloat16), qexp_ref[...],
                         preferred_element_type=jnp.float32).astype(jnp.bfloat16)
        eh_tile = jnp.tile(eh.astype(jnp.bfloat16), (1, hs.shape[1]))
        u = hs_rep * eh_tile
        out_ref[...] = (
            jnp.dot(u, w2p_ref[...], preferred_element_type=jnp.float32)
            + jnp.dot(hs, eb2_ref[...], preferred_element_type=jnp.float32))
    return _msg_body


def _tc_messages(attr_p, hs, ew1, eb1_2d, qexp, w2p, eb2_2d, *, e_pad, d,
                 f_edge, h_edge, et=2048):
    grid = e_pad // et
    return pl.pallas_call(
        _make_msg_body(et),
        grid=(grid,),
        in_specs=[
            pl.BlockSpec((et, f_edge), lambda i: (i, 0)),
            pl.BlockSpec((et, d), lambda i: (i, 0)),
            pl.BlockSpec((f_edge, h_edge), lambda i: (0, 0)),
            pl.BlockSpec((1, h_edge), lambda i: (0, 0)),
            pl.BlockSpec((d, h_edge * d), lambda i: (0, 0)),
            pl.BlockSpec((h_edge * d, d), lambda i: (0, 0)),
            pl.BlockSpec((d, d), lambda i: (0, 0)),
        ],
        out_specs=pl.BlockSpec((et, d), lambda i: (i, 0)),
        out_shape=jax.ShapeDtypeStruct((e_pad, d), jnp.float32),
    )(attr_p, hs, ew1, eb1_2d, qexp, w2p, eb2_2d)


def _update_body(p0_ref, p1_ref, h_ref, rw_ref, cb_ref, wih_ref, whh_ref,
                 bih_ref, bhh_ref, out_ref):
    h = h_ref[...]
    d = h.shape[1]
    agg = (p0_ref[...] + p1_ref[...]
           + jnp.dot(h, rw_ref[...], preferred_element_type=jnp.float32)
           + cb_ref[...])
    gi = jnp.dot(agg, wih_ref[...], preferred_element_type=jnp.float32) + bih_ref[...]
    gh = jnp.dot(h, whh_ref[...], preferred_element_type=jnp.float32) + bhh_ref[...]
    ir, iz, inn = gi[:, :d], gi[:, d:2 * d], gi[:, 2 * d:]
    hr, hz, hn = gh[:, :d], gh[:, d:2 * d], gh[:, 2 * d:]
    r = jax.nn.sigmoid(ir + hr)
    z = jax.nn.sigmoid(iz + hz)
    ng = jnp.tanh(inn + r * hn)
    out_ref[...] = (1.0 - z) * ng + z * h


def _tc_update(p0, p1, h, root_w, conv_b_2d, w_ih, w_hh, b_ih_2d, b_hh_2d, *, n, d):
    full = lambda *s: pl.BlockSpec(s, lambda: tuple(0 for _ in s))
    return pl.pallas_call(
        _update_body,
        in_specs=[full(n, d), full(n, d), full(n, d), full(d, d), full(1, d),
                  full(d, 3 * d), full(d, 3 * d), full(1, 3 * d), full(1, 3 * d)],
        out_specs=full(n, d),
        out_shape=jax.ShapeDtypeStruct((n, d), jnp.float32),
    )(p0, p1, h, root_w, conv_b_2d, w_ih, w_hh, b_ih_2d, b_hh_2d)


def _set2set_body(nr_ref, batch_ref, wih_ref, whh_ref, bi_ref, bh_ref,
                  row1_ref, rb1_ref, row2_ref, rb2_ref, out_ref):
    nr = nr_ref[...]
    d = nr.shape[1]
    bvec = batch_ref[...]
    gid = lax.broadcasted_iota(jnp.int32, (1, B), 1)
    m = (bvec == gid).astype(jnp.float32)
    q_star = jnp.zeros((B, 2 * d), dtype=jnp.float32)
    hl = jnp.zeros((B, d), dtype=jnp.float32)
    cl = jnp.zeros((B, d), dtype=jnp.float32)
    for _ in range(STEPS):
        g = (jnp.dot(q_star, wih_ref[...], preferred_element_type=jnp.float32)
             + jnp.dot(hl, whh_ref[...], preferred_element_type=jnp.float32)
             + bi_ref[...] + bh_ref[...])
        ig, fg, gg, og = (g[:, :d], g[:, d:2 * d], g[:, 2 * d:3 * d], g[:, 3 * d:])
        cl = jax.nn.sigmoid(fg) * cl + jax.nn.sigmoid(ig) * jnp.tanh(gg)
        hl = jax.nn.sigmoid(og) * jnp.tanh(cl)
        q = hl
        qn = jnp.dot(m, q, preferred_element_type=jnp.float32)
        e = jnp.sum(nr * qn, axis=-1, keepdims=True)
        emax = jnp.max(jnp.where(m > 0.0, e, -1e30), axis=0, keepdims=True)
        emax = jnp.where(emax < -1e29, 0.0, emax)
        ee = jnp.exp(e - jnp.sum(m * emax, axis=1, keepdims=True))
        denom = jnp.sum(m * ee, axis=0, keepdims=True)
        a = ee / (jnp.sum(m * denom, axis=1, keepdims=True) + 1e-16)
        rvec = lax.dot_general(m * a, nr, (((0,), (0,)), ((), ())),
                               preferred_element_type=jnp.float32)
        q_star = jnp.concatenate([q, rvec], axis=-1)
    hid = jax.nn.relu(
        jnp.dot(q_star, row1_ref[...], preferred_element_type=jnp.float32)
        + rb1_ref[...])
    out_ref[...] = (jnp.dot(hid, row2_ref[...], preferred_element_type=jnp.float32)
                    + rb2_ref[...])


def _tc_set2set(nr, batch_2d, w_ih, w_hh, bi_2d, bh_2d, ro_w1, rb1_2d, ro_w2,
                rb2_2d, *, n, d):
    full = lambda *s: pl.BlockSpec(s, lambda: tuple(0 for _ in s))
    return pl.pallas_call(
        _set2set_body,
        in_specs=[full(n, d), full(n, 1), full(2 * d, 4 * d), full(d, 4 * d),
                  full(1, 4 * d), full(1, 4 * d), full(2 * d, d), full(1, d),
                  full(d, d), full(1, d)],
        out_specs=full(B, d),
        out_shape=jax.ShapeDtypeStruct((B, d), jnp.float32),
    )(nr, batch_2d, w_ih, w_hh, bi_2d, bh_2d, ro_w1, rb1_2d, ro_w2, rb2_2d)



def kernel(x, edge_index, edge_attr, batch, ew1, eb1, ew2, eb2, root_w, conv_b,
           gru_w_ih, gru_w_hh, gru_b_ih, gru_b_hh,
           lstm_w_ih, lstm_w_hh, lstm_b_ih, lstm_b_hh,
           ro_w1, ro_b1, ro_w2, ro_b2):
    n, f_in = x.shape
    e = edge_index.shape[1]
    f_edge = edge_attr.shape[1]
    h_edge = ew1.shape[1]
    d = root_w.shape[0]

    epw = ((e + NW * 128 - 1) // (NW * 128)) * 128
    e_pad = epw * NW
    n_pad = ((n + 1 + NS * 8 - 1) // (NS * 8)) * (NS * 8)

    src = jnp.pad(edge_index[0], (0, e_pad - e)).reshape(e_pad // 128, 128)
    dst = jnp.pad(edge_index[1], (0, e_pad - e),
                  constant_values=n).reshape(e_pad // 128, 128)
    attr_p = jnp.pad(edge_attr, ((0, e_pad - e), (0, 0)))
    zeros_nd = jnp.zeros((n_pad, d), dtype=jnp.float32)

    h = jnp.pad(x, ((0, 0), (0, d - f_in)))
    w2p = (ew2.reshape(h_edge, d, d).transpose(1, 0, 2)
           .reshape(h_edge * d, d).astype(jnp.bfloat16))
    qexp = jnp.repeat(jnp.eye(d, dtype=jnp.bfloat16), h_edge, axis=1)
    eb2_2d = eb2.reshape(d, d)
    eb1_2d = eb1.reshape(1, h_edge)

    for _ in range(LAYERS):
        hs = _sc_gather(h, src, e_pad=e_pad, d=d)
        msg = _tc_messages(attr_p, hs, ew1, eb1_2d, qexp, w2p, eb2_2d,
                           e_pad=e_pad, d=d, f_edge=f_edge, h_edge=h_edge)
        parts = _sc_scatter_add(msg, dst, zeros_nd,
                                e_pad=e_pad, n_pad=n_pad, d=d)
        h = _tc_update(parts[0, :n], parts[1, :n], h, root_w,
                       conv_b.reshape(1, d), gru_w_ih, gru_w_hh,
                       gru_b_ih.reshape(1, 3 * d), gru_b_hh.reshape(1, 3 * d),
                       n=n, d=d)

    graph_repr = _tc_set2set(h, batch.reshape(n, 1), lstm_w_ih, lstm_w_hh,
                             lstm_b_ih.reshape(1, 4 * d),
                             lstm_b_hh.reshape(1, 4 * d),
                             ro_w1, ro_b1.reshape(1, d), ro_w2,
                             ro_b2.reshape(1, d), n=n, d=d)
    return h, graph_repr

# --- scband reference (transcript-rebuilt; emitter-appended) ---
"""Pipeline reference for scband-mpnnblock-71708773974648 (READ-ONLY COPY).

The authoritative reference and input builder live on the scoring server;
editing this copy changes nothing except your own understanding.
"""

import jax, jax.numpy as jnp
import numpy as np

N = 10000
E = 160000
D = 32
F_IN = 16
F_EDGE = 4
H_EDGE = 64
B = 64
LAYERS = 3
STEPS = 3


def setup_inputs(seed: int = 0) -> dict:
    key = jax.random.key(seed)
    ks = jax.random.split(key, 16)
    s = 0.05
    inp = {}
    inp['x'] = jax.random.normal(ks[0], (N, F_IN), dtype=jnp.float32)
    inp['edge_index'] = jax.random.randint(ks[1], (2, E), 0, N, dtype=jnp.int32)
    inp['edge_attr'] = jax.random.normal(ks[2], (E, F_EDGE), dtype=jnp.float32)
    inp['batch'] = jnp.sort(jax.random.randint(ks[3], (N,), 0, B, dtype=jnp.int32))
    # edge network MLP: Linear(F_EDGE,H_EDGE) -> ReLU -> Linear(H_EDGE, D*D)
    inp['ew1'] = jax.random.normal(ks[4], (F_EDGE, H_EDGE), dtype=jnp.float32) * s
    inp['eb1'] = jnp.zeros((H_EDGE,), dtype=jnp.float32)
    inp['ew2'] = jax.random.normal(ks[5], (H_EDGE, D * D), dtype=jnp.float32) * s
    inp['eb2'] = jnp.zeros((D * D,), dtype=jnp.float32)
    # NNConv root weight + bias
    inp['root_w'] = jax.random.normal(ks[6], (D, D), dtype=jnp.float32) * s
    inp['conv_b'] = jnp.zeros((D,), dtype=jnp.float32)
    # GRU(D, D), single layer (torch gate order r,z,n)
    inp['gru_w_ih'] = jax.random.normal(ks[7], (D, 3 * D), dtype=jnp.float32) * s
    inp['gru_w_hh'] = jax.random.normal(ks[8], (D, 3 * D), dtype=jnp.float32) * s
    inp['gru_b_ih'] = jnp.zeros((3 * D,), dtype=jnp.float32)
    inp['gru_b_hh'] = jnp.zeros((3 * D,), dtype=jnp.float32)
    # Set2Set LSTM(2D, D) (torch gate order i,f,g,o)
    inp['lstm_w_ih'] = jax.random.normal(ks[9], (2 * D, 4 * D), dtype=jnp.float32) * s
    inp['lstm_w_hh'] = jax.random.normal(ks[10], (D, 4 * D), dtype=jnp.float32) * s
    inp['lstm_b_ih'] = jnp.zeros((4 * D,), dtype=jnp.float32)
    inp['lstm_b_hh'] = jnp.zeros((4 * D,), dtype=jnp.float32)
    # readout net: Linear(2D,D) -> ReLU -> Linear(D,D)
    inp['ro_w1'] = jax.random.normal(ks[11], (2 * D, D), dtype=jnp.float32) * s
    inp['ro_b1'] = jnp.zeros((D,), dtype=jnp.float32)
    inp['ro_w2'] = jax.random.normal(ks[12], (D, D), dtype=jnp.float32) * s
    inp['ro_b2'] = jnp.zeros((D,), dtype=jnp.float32)
    return inp


def _forward(x, edge_attr, ew1, eb1, ew2, eb2, root_w, conv_b,
             gru_w_ih, gru_w_hh, gru_b_ih, gru_b_hh,
             lstm_w_ih, lstm_w_hh, lstm_b_ih, lstm_b_hh,
             ro_w1, ro_b1, ro_w2, ro_b2, edge_index, batch):
    n = x.shape[0]
    # zero-pad node features to hidden dim
    h = jnp.pad(x, ((0, 0), (0, D - x.shape[1])))
    src = edge_index[0]
    dst = edge_index[1]
    # edge network -> per-edge [D, D] weight matrices (shared conv layer, so compute once)
    ehid = jax.nn.relu(edge_attr @ ew1 + eb1)
    w = (ehid @ ew2 + eb2).reshape(-1, D, D)
    for _ in range(LAYERS):
        # NNConv (aggr='add'): message = x_j @ W_e, scatter-add at dst, plus root transform
        msg = jnp.einsum('ei,eio->eo', h[src], w)
        agg = jax.ops.segment_sum(msg, dst, num_segments=n) + h @ root_w + conv_b
        # GRU update (seq_len=1)
        gi = agg @ gru_w_ih + gru_b_ih
        gh = h @ gru_w_hh + gru_b_hh
        ir, iz, inn = jnp.split(gi, 3, axis=-1)
        hr, hz, hn = jnp.split(gh, 3, axis=-1)
        r = jax.nn.sigmoid(ir + hr)
        z = jax.nn.sigmoid(iz + hz)
        ng = jnp.tanh(inn + r * hn)
        h = (1.0 - z) * ng + z * h
    node_repr = h
    # Set2Set readout
    q_star = jnp.zeros((B, 2 * D), dtype=jnp.float32)
    hl = jnp.zeros((B, D), dtype=jnp.float32)
    cl = jnp.zeros((B, D), dtype=jnp.float32)
    for _ in range(STEPS):
        g = q_star @ lstm_w_ih + hl @ lstm_w_hh + lstm_b_ih + lstm_b_hh
        ig, fg, gg, og = jnp.split(g, 4, axis=-1)
        cl = jax.nn.sigmoid(fg) * cl + jax.nn.sigmoid(ig) * jnp.tanh(gg)
        hl = jax.nn.sigmoid(og) * jnp.tanh(cl)
        q = hl
        e = jnp.sum(node_repr * q[batch], axis=-1)
        emax = jax.ops.segment_max(e, batch, num_segments=B)
        emax = jnp.where(jnp.isfinite(emax), emax, 0.0)
        ee = jnp.exp(e - emax[batch])
        denom = jax.ops.segment_sum(ee, batch, num_segments=B)
        a = ee / (denom[batch] + 1e-16)
        rvec = jax.ops.segment_sum(a[:, None] * node_repr, batch, num_segments=B)
        q_star = jnp.concatenate([q, rvec], axis=-1)
    graph_repr = jax.nn.relu(q_star @ ro_w1 + ro_b1) @ ro_w2 + ro_b2
    return node_repr, graph_repr


def reference(x, edge_index, edge_attr, batch, ew1, eb1, ew2, eb2, root_w, conv_b,
              gru_w_ih, gru_w_hh, gru_b_ih, gru_b_hh,
              lstm_w_ih, lstm_w_hh, lstm_b_ih, lstm_b_hh,
              ro_w1, ro_b1, ro_w2, ro_b2):
    return _forward(x, edge_attr, ew1, eb1, ew2, eb2, root_w, conv_b,
                    gru_w_ih, gru_w_hh, gru_b_ih, gru_b_hh,
                    lstm_w_ih, lstm_w_hh, lstm_b_ih, lstm_b_hh,
                    ro_w1, ro_b1, ro_w2, ro_b2, edge_index, batch)

if __name__ == "__main__":
    import jax
    _d = setup_inputs()
    print(jax.jit(kernel)(*tuple(_d.values())))

</pallas_src>

<mosaic_0001>
#map = affine_map<(d0, d1) -> (0, 0)>
module attributes {stable_mosaic.version = 14 : i64} {
  func.func @mpnn_sc_gather(%arg0: i32, %arg1: i32, %arg2: memref<10000x32xf32, #tpu.memory_space<hbm>>, %arg3: memref<1280x128xi32, #tpu.memory_space<hbm>>, %arg4: memref<163840x32xf32, #tpu.memory_space<hbm>>, %arg5: memref<40x128xi32, #tpu.memory_space<vmem>>, %arg6: memref<128x32xf32, #tpu.memory_space<vmem>>, %arg7: memref<!tpu.dma_semaphore, #tpu.memory_space<semaphore_mem>>) attributes {dimension_semantics = [#tpu.dimension_semantics<core_parallel>, #tpu.dimension_semantics<subcore_parallel>], iteration_bounds = array<i64: 2, 16>, scalar_prefetch = 0 : i64, scratch_operands = 3 : i64, tpu.core_type = #tpu.core_type<sc_vector_subcore>, window_params = [{transform_indices = #map}, {transform_indices = #map}, {transform_indices = #map}]} {
    %mul3A = arith.constant 16 : i32
    %mul3A_0 = arith.muli %arg0, %mul3A : i32
    %add3A = arith.addi %mul3A_0, %arg1 : i32
    %mul3A_1 = arith.constant 40 : i32
    %mul3A_2 = arith.muli %add3A, %mul3A_1 : i32
    "tpu.region"() ({
      %run_scoped3A = tpu.sem_alloc : memref<!tpu.dma_semaphore, #tpu.memory_space<semaphore_mem>>
      %dma_start3A = arith.constant 0 : i32
      %dma_start3A_8 = tpu.memref_slice %arg3[%mul3A_2, %dma_start3A] : memref<1280x128xi32, #tpu.memory_space<hbm>> -> memref<40x128xi32, #tpu.memory_space<hbm>>
      %dma_start3A_9 = arith.constant 0 : i32
      %dma_start3A_10 = tpu.memref_slice %arg3[%mul3A_2, %dma_start3A_9] : memref<1280x128xi32, #tpu.memory_space<hbm>> -> memref<40x128xi32, #tpu.memory_space<hbm>>
      tpu.enqueue_dma source(%dma_start3A_10 : memref<40x128xi32, #tpu.memory_space<hbm>>) target(%arg5 : memref<40x128xi32, #tpu.memory_space<vmem>>) target_semaphore(%run_scoped3A : memref<!tpu.dma_semaphore, #tpu.memory_space<semaphore_mem>>)
      %dma_wait3A = arith.constant 0 : i32
      %dma_wait3A_11 = tpu.memref_slice %arg3[%mul3A_2, %dma_wait3A] : memref<1280x128xi32, #tpu.memory_space<hbm>> -> memref<40x128xi32, #tpu.memory_space<hbm>>
      %dma_wait3A_12 = arith.constant 0 : i32
      %dma_wait3A_13 = tpu.memref_slice %arg3[%mul3A_2, %dma_wait3A_12] : memref<1280x128xi32, #tpu.memory_space<hbm>> -> memref<40x128xi32, #tpu.memory_space<hbm>>
      tpu.wait_dma2 semaphore(%run_scoped3A : memref<!tpu.dma_semaphore, #tpu.memory_space<semaphore_mem>>) src(%dma_wait3A_13 : memref<40x128xi32, #tpu.memory_space<hbm>>) dst(%arg5 : memref<40x128xi32, #tpu.memory_space<vmem>>)
      tpu.yield
    }) : () -> ()
    %scan3A = arith.constant 0 : i32
    %scan3A_3 = arith.constant 0 : i32
    %scan3A_4 = arith.constant 40 : i32
    %scan3A_5 = arith.addi %scan3A_3, %scan3A_4 : i32
    %scan3A_6 = arith.constant 1 : i32
    scf.for %scan3A_8 = %scan3A_3 to %scan3A_5 step %scan3A_6  : i32 {
      %dma_start3A = arith.constant 0 : i32
      %dma_start3A_9 = tpu.memref_slice %arg5[%scan3A_8, %dma_start3A] : memref<40x128xi32, #tpu.memory_space<vmem>> -> memref<1x128xi32, #tpu.memory_space<vmem>>
      %dma_start3A_10 = tpu.memref_squeeze %dma_start3A_9 : memref<1x128xi32, #tpu.memory_space<vmem>> -> memref<128xi32, #tpu.memory_space<vmem>>
      %dma_start3A_11 = arith.constant 0 : i32
      %dma_start3A_12 = arith.constant 0 : i32
      %dma_start3A_13 = tpu.memref_slice %arg2[%dma_start3A_11, %dma_start3A_12] : memref<10000x32xf32, #tpu.memory_space<hbm>> -> memref<10000x32xf32, #tpu.memory_space<hbm>>
      tpu.enqueue_indirect_dma source(%dma_start3A_13 : memref<10000x32xf32, #tpu.memory_space<hbm>>) target(%arg6 : memref<128x32xf32, #tpu.memory_space<vmem>>) offsets(%dma_start3A_10 : memref<128xi32, #tpu.memory_space<vmem>>) semaphore(%arg7 : memref<!tpu.dma_semaphore, #tpu.memory_space<semaphore_mem>>)
      %dma_wait3A = arith.constant 0 : i32
      %dma_wait3A_14 = tpu.memref_slice %arg5[%scan3A_8, %dma_wait3A] : memref<40x128xi32, #tpu.memory_space<vmem>> -> memref<1x128xi32, #tpu.memory_space<vmem>>
      %dma_wait3A_15 = tpu.memref_squeeze %dma_wait3A_14 : memref<1x128xi32, #tpu.memory_space<vmem>> -> memref<128xi32, #tpu.memory_space<vmem>>
      %dma_wait3A_16 = arith.constant 0 : i32
      %dma_wait3A_17 = arith.constant 0 : i32
      %dma_wait3A_18 = tpu.memref_slice %arg2[%dma_wait3A_16, %dma_wait3A_17] : memref<10000x32xf32, #tpu.memory_space<hbm>> -> memref<10000x32xf32, #tpu.memory_space<hbm>>
      tpu.wait_indirect_dma semaphore(%arg7 : memref<!tpu.dma_semaphore, #tpu.memory_space<semaphore_mem>>) src(%dma_wait3A_18 : memref<10000x32xf32, #tpu.memory_space<hbm>>) dst(%arg6 : memref<128x32xf32, #tpu.memory_space<vmem>>)
      %mul3A_19 = arith.constant 5120 : i32
      %mul3A_20 = arith.muli %add3A, %mul3A_19 : i32
      %mul3A_21 = arith.constant 128 : i32
      %mul3A_22 = arith.muli %scan3A_8, %mul3A_21 : i32
      %add3A_23 = arith.addi %mul3A_20, %mul3A_22 : i32
      "tpu.region"() ({
        %run_scoped3A = tpu.sem_alloc : memref<!tpu.dma_semaphore, #tpu.memory_space<semaphore_mem>>
        %dma_start3A_24 = arith.constant 0 : i32
        %dma_start3A_25 = tpu.memref_slice %arg4[%add3A_23, %dma_start3A_24] : memref<163840x32xf32, #tpu.memory_space<hbm>> -> memref<128x32xf32, #tpu.memory_space<hbm>>
        %dma_start3A_26 = arith.constant 0 : i32
        %dma_start3A_27 = tpu.memref_slice %arg4[%add3A_23, %dma_start3A_26] : memref<163840x32xf32, #tpu.memory_space<hbm>> -> memref<128x32xf32, #tpu.memory_space<hbm>>
        tpu.enqueue_dma source(%arg6 : memref<128x32xf32, #tpu.memory_space<vmem>>) target(%dma_start3A_27 : memref<128x32xf32, #tpu.memory_space<hbm>>) target_semaphore(%run_scoped3A : memref<!tpu.dma_semaphore, #tpu.memory_space<semaphore_mem>>)
        %dma_wait3A_28 = arith.constant 0 : i32
        %dma_wait3A_29 = tpu.memref_slice %arg4[%add3A_23, %dma_wait3A_28] : memref<163840x32xf32, #tpu.memory_space<hbm>> -> memref<128x32xf32, #tpu.memory_space<hbm>>
        %dma_wait3A_30 = arith.constant 0 : i32
        %dma_wait3A_31 = tpu.memref_slice %arg4[%add3A_23, %dma_wait3A_30] : memref<163840x32xf32, #tpu.memory_space<hbm>> -> memref<128x32xf32, #tpu.memory_space<hbm>>
        tpu.wait_dma2 semaphore(%run_scoped3A : memref<!tpu.dma_semaphore, #tpu.memory_space<semaphore_mem>>) src(%arg6 : memref<128x32xf32, #tpu.memory_space<vmem>>) dst(%dma_wait3A_31 : memref<128x32xf32, #tpu.memory_space<hbm>>)
        tpu.yield
      }) : () -> ()
    }
    %scan3A_7 = arith.constant 40 : i32
    return
  }
}

</mosaic_0001>

<sc_bundles>
// kernel: mpnn_sc_gather.3.cloned.1.call-start
scs
__scs_entry_jumppad:
0x0: {  	(pc) =	sbr.rel $0x88, $3  }
0x1: {  	(tag) =	ssettag $0x0;
	lr =	simm.s32 $0x1  }
0x2: {  	[smem:$0x3F9F] =	sst lr;
	_ =	strace $0xD0000000  }
0x3: {  	_ = 	snop  }
0x4: {  	_ = 	snop  }
0x5: {  	_ = 	snop  }
0x6: {  	_ = 	snop  }
0x7: {  	_ = 	snop  }
__scs_overlays_trampoline_lowered:
0x8: {  	[smem:$0x3FAE] =	sst s0  }
0x9: {  	[smem:$0x3FAF] =	sst s1  }
0xa: {  	[smem:$0x3FB0] =	sst s2  }
0xb: {  	[smem:$0x3FB1] =	sst s3  }
0xc: {  	[smem:$0x3FB2] =	sst s4  }
0xd: {  	[smem:$0x3FB3] =	sst s5  }
0xe: {  	[smem:$0x3FB4] =	sst s6  }
0xf: {  	[smem:$0x3FB5] =	sst s7  }
0x10: {  	[smem:$0x3FB6] =	sst s8  }
0x11: {  	[smem:$0x3FB7] =	sst s9;
	s0 =	simm.s32 @!p0 $0x0  }
0x12: {  	s1 =	sld [smem:$0x3F9D];
	s0 =	simm.s32 @p0 $0x1  }
0x13: {  	[smem:$0x3FB8] =	sst s0;
	s0 =	simm.s32 @!p1 $0x0  }
0x14: {  	s2 =	sld [smem:$0x3F9C];
	s0 =	simm.s32 @p1 $0x1  }
0x15: {  	[smem:$0x3FB9] =	sst s0;
	s0 =	simm.s32 @!p2 $0x0  }
0x16: {  	s3 =	sld [smem:$0x3FDB];
	s0 =	simm.s32 @p2 $0x1  }
0x17: {  	s4 =	simm.s32 $0x1BF5;
	[smem:$0x3FBB] =	sst s0  }
0x18: {  	s0 =	sld [smem:$0x3F9E];
	_ =	swait.ge [sflag:s4], $0x0  }
0x19: {  	s7 =	sld [smem:$0x3F9F]  }
0x1a: {  	s8 =	sadd.s32 $0xFFFFE003, lr  }
0x1b: {  	s9 =	sadd.s32 $0xFFFFFEF7, lr;
	s5 =	simm.s32 $0xFFFFFFFF;
	p2 =	slt.u32 s8, $0xFFFFF086  }
0x1c: {  	p1 =	slt.u32 s9, $0xF7A;
	s5 =	simm.s32 @!p2 $0x0  }
0x1d: {  	s5 =	simm.s32 @p1 $0x1;
	p0 =	seq.s32 s7, s2  }
0x1e: {  	s7 =	smul.u32 @!p0 $0xF7A, s2;
	p2 =	seq.s32 @!p0 s5, $0x0  }
0x1f: {  	s9 =	smul.u32 $0xF7A, s1;
	s8 =	simm.s32 @!p0 $0x1BF5;
	p2 =	por !p2, p0  }
0x20: {  	[sflag:s8] =	ssyncset.s32 @!p0 $0xFFFFF086;
	s6 =	sadd.s32 @!p0 s3, s7;
	s7 =	simm.s32 @!p0 $0x108  }
0x21: {  	s3 =	sadd.s32 s3, s9;
	s6 =	sadd.s32 @!p0 $0x88, s6;
	s7 =	simm.s32 @p2 $0x1082  }
0x22: {  	[simem:s7], [sflag:s8] =	dma.local @!p0 [hbm:s6], $0xF7A  }
0x23: {  	s9 =	sor.u32 $0xD0000000, s2;
	s6 =	simm.s32 $0x108;
	_ =	swait.ge @!p0 [sflag:s8], $0x0  }
0x24: {  	s3 =	sadd.s32 $0x88, s3;
	s6 =	simm.s32 @!p1 $0x1082;
	[sflag:s4] =	ssyncset.s32 $0xFFFFF086  }
0x25: {  	[simem:s6], [sflag:s4] =	dma.local [hbm:s3], $0xF7A  }
0x26: {  	[smem:$0x3F9F] =	sst s1;
	(tag) =	ssettag s2;
	_ =	strace s9  }
0x27: {  	s1 =	sld [smem:$0x3FAF]  }
0x28: {  	s2 =	sld [smem:$0x3FB0]  }
0x29: {  	s4 =	sld [smem:$0x3FB2]  }
0x2a: {  	p0 =	seq.s32 s5, $0x0;
	s5 =	sld [smem:$0x3FB3]  }
0x2b: {  	s6 =	sld [smem:$0x3FB4]  }
0x2c: {  	s7 =	sld [smem:$0x3FB5]  }
0x2d: {  	s3 =	simm.s32 $0x108;
	s8 =	sld [smem:$0x3FB6]  }
0x2e: {  	s3 =	simm.s32 @!p0 $0x1082;
	s9 =	sld [smem:$0x3FB7]  }
0x2f: {  	lr =	sadd.s32 s0, s3;
	s0 =	sld [smem:$0x3FAE]  }
0x30: {  	s3 =	sld [smem:$0x3FB1]  }
0x31: {  	[smem:$0x3FBA] =	sst s10  }
0x32: {  	s10 =	sld [smem:$0x3FB8];
	_ =	sdelay $0x3  }
0x33: {  	p0 =	seq.s32 s10, $0x1;
	s10 =	sld [smem:$0x3FBA];
	_ =	sdelay $0x3  }
0x34: {  	[smem:$0x3FBA] =	sst s10  }
0x35: {  	s10 =	sld [smem:$0x3FB9];
	_ =	sdelay $0x3  }
0x36: {  	p1 =	seq.s32 s10, $0x1;
	s10 =	sld [smem:$0x3FBA];
	_ =	sdelay $0x3  }
0x37: {  	[smem:$0x3FBA] =	sst s10  }
0x38: {  	s10 =	sld [smem:$0x3FBB]  }
0x39: {  	_ = 	snop;
	(pc) =	sbr.ind lr, $3  }
0x3a: {  	_ = 	snop  }
0x3b: {  	_ = 	snop  }
0x3c: {  	p2 =	seq.s32 s10, $0x1;
	s10 =	sld [smem:$0x3FBA]  }
0x3d: {  	_ =	shalt  }
0x3e: {  	_ =	shalt  }
0x3f: {  	_ =	shalt  }
0x40: {  	_ =	shalt  }
0x41: {  	_ =	shalt  }
0x42: {  	_ =	shalt  }
0x43: {  	_ =	shalt  }
0x44: {  	_ =	shalt  }
0x45: {  	_ =	shalt  }
0x46: {  	_ =	shalt  }
0x47: {  	_ =	shalt  }
0x48: {  	_ =	shalt  }
0x49: {  	_ =	shalt  }
0x4a: {  	_ =	shalt  }
0x4b: {  	_ =	shalt  }
0x4c: {  	_ =	shalt  }
0x4d: {  	_ =	shalt  }
0x4e: {  	_ =	shalt  }
0x4f: {  	_ =	shalt  }
0x50: {  	_ =	shalt  }
0x51: {  	_ =	shalt  }
0x52: {  	_ =	shalt  }
0x53: {  	_ =	shalt  }
0x54: {  	_ =	shalt  }
0x55: {  	_ =	shalt  }
0x56: {  	_ =	shalt  }
0x57: {  	_ =	shalt  }
0x58: {  	_ =	shalt  }
0x59: {  	_ =	shalt  }
0x5a: {  	_ =	shalt  }
0x5b: {  	_ =	shalt  }
0x5c: {  	_ =	shalt  }
0x5d: {  	_ =	shalt  }
0x5e: {  	_ =	shalt  }
0x5f: {  	_ =	shalt  }
0x60: {  	_ =	shalt  }
0x61: {  	_ =	shalt  }
0x62: {  	_ =	shalt  }
0x63: {  	_ =	shalt  }
0x64: {  	_ =	shalt  }
0x65: {  	_ =	shalt  }
0x66: {  	_ =	shalt  }
0x67: {  	_ =	shalt  }
0x68: {  	_ =	shalt  }
0x69: {  	_ =	shalt  }
0x6a: {  	_ =	shalt  }
0x6b: {  	_ =	shalt  }
0x6c: {  	_ =	shalt  }
0x6d: {  	_ =	shalt  }
0x6e: {  	_ =	shalt  }
0x6f: {  	_ =	shalt  }
0x70: {  	_ =	shalt  }
0x71: {  	_ =	shalt  }
0x72: {  	_ =	shalt  }
0x73: {  	_ =	shalt  }
0x74: {  	_ =	shalt  }
0x75: {  	_ =	shalt  }
0x76: {  	_ =	shalt  }
0x77: {  	_ =	shalt  }
0x78: {  	_ =	shalt  }
0x79: {  	_ =	shalt  }
0x7a: {  	_ =	shalt  }
0x7b: {  	_ =	shalt  }
0x7c: {  	_ =	shalt  }
0x7d: {  	_ =	shalt  }
0x7e: {  	_ =	shalt  }
0x7f: {  	_ =	shalt  }
0x80: {  	_ =	shalt  }
0x81: {  	_ =	shalt  }
0x82: {  	_ =	shalt  }
0x83: {  	_ =	shalt  }
0x84: {  	_ =	shalt  }
0x85: {  	_ =	shalt  }
0x86: {  	_ =	shalt  }
0x87: {  	_ =	shalt  }
.Lfunc_end0:
.L_simem_size_0:
called_computation_lowered:
.L_overlay_start_0:
0x88: {  	s2 =	sld [smem:$0x3FD9]  }
0x89: {  	s3 =	sld [smem:$0x3FFE];
	_ =	sdelay $0x1  }
0x8a: {  	s1 =	srdreg.scid  }
0x8b: {  	s0 =	sand.u32 $0x1, s1  }
0x8c: {  	s17 =	sshll.u32 s0, $0xA;
	s2 =	sadd.s32 s3, s2  }
0x8d: {  	s2 =	sadd.s32 s2, s17  }
0x8e: {  	[smem:$0x3FC6] =	sst s2  }
0x8f: {  	_ = 	snop  }
0x90: {  	s2 =	sld [smem:$0x3FC8]  }
0x91: {  	s18 =	sld [smem:$0x3FD0];
	(tm) =	ssettm $0x1  }
0x92: {  	s4 =	sld [smem:$0x3FFB];
	_ =	sdelay $0x3  }
0x93: {  	_ =	strace s4  }
0x94: {  	s4 =	sld [smem:$0x3FFC];
	_ =	sdelay $0x3  }
0x95: {  	_ =	strace s4  }
0x96: {  	s4 =	sld [smem:$0x3FFD];
	_ =	sdelay $0x3  }
0x97: {  	_ =	strace s4  }
0x98: {  	_ =	strace $0x8FFFFFFF  }
0x99: {  	s19 =	sld [smem:$0x3FDB];
	_ =	sdelay $0x1  }
0x9a: {  	s5 =	simm.s32 $_scs_section_size  }
0x9b: {  	s6 =	simm.s32 $_size__tile_overlayer_lowered;
	s7 =	simm.s32 $_tile_overlayer_lowered  }
0x9c: {  	s22 =	simm.s32 $0x1BFF;
	s21 =	sshll.u32 s7, $0x1;
	s4 =	sadd.s32 s5, s19  }
0x9d: {  	s8 =	simm.s32 $0x0;
	s20 =	sshll.u32 s6, $0x1;
	s6 =	sadd.s32 s21, s4  }
0x9e: {  	[timem:s8], [sflag:s22] =	dma.local [hbm:s6], s20  }
0x9f: {  	_ =	swait.ge [sflag:s22], s20  }
0xa0: {  	s5 =	ssub.s32 $0x0, s20;
	[sflag:s22] =	ssyncset.done $0x0  }
0xa1: {  	[sflag:s22] =	ssyncadd.s32 s5;
	_ =	sdelay $0x1  }
0xa2: {  	s23 =	simm.s32 $0x1B8B  }
0xa3: {  	_ =	swait.ge [sflag:s23], $0x1  }
0xa4: {  	[sflag:s23] =	ssyncset.done $0x0  }
0xa5: {  	s25 =	simm.s32 $0x1B8E;
	s24 =	sld [smem:$0x3FFE];
	[sflag:s23] =	ssyncadd.s32 $0xFFFFFFFF  }
0xa6: {  	s26 =	simm.s32 $execute0_lowered;
	[smem:$0x3FD2] =	sst s25  }
0xa7: {  	s6 =	sshll.u32 s26, $0x1;
	_ =	strace $0x80000046;
	[dreg:$0x1] =	wrdreg $0xFFFFFFFF  }
0xa8: {  	s28 =	simm.s32 $_size_execute0_lowered;
	s4 =	sadd.s32 s4, s6;
	[dreg:$0x0] =	wrdreg $0x0  }
0xa9: {  	s6 =	sshll.u32 s28, $0x1;
	[dreg:$0x2] =	wrdreg s4  }
0xaa: {  	[dreg:$0x3] =	wrdreg s6  }
0xab: {  	[dreg:$0x4] =	wrdreg $0xC0  }
0xac: {  	_ =	task [dreg:s8], $0x5FFFF  }
0xad: {  	[dreg:$0x1] =	wrdreg $0xFFFFFFFF  }
0xae: {  	[dreg:$0x0] =	wrdreg $0x60  }
0xaf: {  	[dreg:$0x2] =	wrdreg s24  }
0xb0: {  	[dreg:$0x3] =	wrdreg s2  }
0xb1: {  	[dreg:$0x4] =	wrdreg s18  }
0xb2: {  	[dreg:$0x5] =	wrdreg $0x9  }
0xb3: {  	_ =	task.clear_ibuf [dreg:s8], $0x6FFFF;
	_ =	strace $0x90000046  }
0xb4: {  	s29 =	simm.s32 $0x9;
	_ =	strace $0x80000048  }
0xb5: {  	_ =	swait.ge [sflag:s29], $0x1  }
0xb6: {  	[sflag:s29] =	ssyncadd.s32 $0xFFFFFFFF  }
0xb7: {  	_ =	strace $0x90000048  }
0xb8: {  	_ =	sfence  }
0xb9: {  	s30 =	sld [smem:$0x0];
	_ =	sdelay $0x2  }
0xba: {  	s31 =	sshll.u32 s1, $0xD;
	s1 =	sshrl.u32 s1, $0x2  }
0xbb: {  	s3 =	sand.u32 $0x4000, s31;
	s1 =	sadd.s32 s1, s30  }
0xbc: {  	s0 =	sor.u32 s3, s0;
	s1 =	sshll.u32 s1, $0x11  }
0xbd: {  	s0 =	sor.u32 s1, s0  }
0xbe: {  	s0 =	sadd.s32 $0x8F2B, s0  }
0xbf: {  	[sflag:s0] =	ssyncadd.remote.s32 $0x1  }
0xc0: {  	_ =	sfence.sel $0xFFFF  }
0xc1: {  	[dreg:$0x0] =	wrdreg $0xFFFFFFFF;
	(pc) =	sbr.abs _section_cstart, $3  }
0xc2: {  	[dreg:$0x1] =	wrdreg $0xFFFFFFFF  }
0xc3: {  	_ =	task.clear_ibuf [dreg:s8], $0x2FFFF;
	_ =	strace $0x9FFFFFFF  }
0xc4: {  	(tm) =	ssettm $0x7FFFFFFF  }
0xc5: {  	_ =	shalt  }
tec
execute0_lowered:
.L_overlay_start_1:
0x0: {  	(tag) =	ssettag $0x1  }
0x1: {  	s3 =	rddreg [dreg:$0x0]  }
0x2: {  	s4 =	rddreg [dreg:$0x1]  }
0x3: {  	s0 =	srdreg.scid;
	s6 =	rddreg [dreg:$0x2]  }
0x4: {  	s2 =	simm.s32 $0x0;
	s5 =	sand.u32 $0x1, s0;
	s0 =	rddreg [dreg:$0x3]  }
0x5: {  	s1 =	stileid.u32;
	s11 =	simm.s32 $0x0;
	[smem:$0x7FF] =	sst s2  }
0x6: {  	s3 =	sadd.s32 $0x400, s3;
	s31 =	smul.u32 $0x5000, s1;
	s7 =	sshll.u32 s5, $0x4  }
0x7: {  	s8 =	ssub.s32 $0x2, s5;
	s10 =	smul.u32 $0x50000, s5;
	s7 =	sor.u32 s1, s7  }
0x8: {  	_ =	strace $0x80000047;
	s9 =	sshrl.u32 s8, $0x1;
	s7 =	smul.u32 $0x280, s7  }
0x9: {  	s30 =	ssub.s32 s8, s9;
	s6 =	sadd.s32 s10, s6;
	s8 =	simm.s32 $0x80  }
0xa: {  	s9 =	simm.s32 $0x1400;
	s10 =	simm.s32 $0x1;
	s5 =	smax.u32 s30, $0x1  }
0xb: {  	s6 =	sadd.s32 s31, s6;
	s4 =	sadd.s32 s4, s7;
	s7 =	simm.s32 $0x2  }
.LBB2_1:
0xc: {  	[tilespmem:s2], [sflag:$0x2] =	stream.linear.gather [hbm4b:s4+s2], $0x1400, $0x38;
	[tilespmem:$0x2400] =	vst v63  }
0xd: {  	_ =	swait.ge [sflag:s7], $0x1400  }
0xe: {  	[sflag:s7] =	ssyncset.done $0x0  }
0xf: {  	s12 =	simm.s32 $0x0;
	[sflag:s7] =	ssyncadd.s32 $0xFFFFEC00  }
0x10: {  	[tilespmem:s9], [sflag:$0x1] =	stream.indirect.gather [hbm4b:s3+s8], $0x20, s12, s8, $0xb8;
	[tilespmem:$0x2400] =	vst v63  }
0x11: {  	_ =	swait.ge [sflag:s10], $0x1000  }
0x12: {  	[sflag:s10] =	ssyncset.done $0x0  }
0x13: {  	s31 =	sadd.s32 $0x0, s6;
	[sflag:s10] =	ssyncadd.s32 $0xFFFFF000  }
0x14: {  	[hbm4b:s31+s2] =	stream.linear.scatter [tilespmem:s9], [sflag:$0x2], $0x1000, $0x38;
	[tilespmem:$0x2400] =	vst v63  }
0x15: {  	_ =	swait.ge [sflag:s7], $0x1000  }
0x16: {  	s13 =	simm.s32 $0x400;
	s12 =	simm.s32 $0x200;
	[sflag:s7] =	ssyncset.done $0x0  }
.LBB2_2:
0x17: {  	s14 =	sshra.s32 s12, $0x2  }
0x18: {  	[sflag:s7] =	ssyncadd.s32 $0xFFFFF000;
	s15 =	smov.u32 s13;
	s16 =	sadd.s32 $0x200, s13  }
0x19: {  	[tilespmem:s9], [sflag:$0x1] =	stream.indirect.gather [hbm4b:s3+s8], $0x20, s14, s8, $0xb8;
	[tilespmem:$0x2400] =	vst v63  }
0x1a: {  	p0 =	sne.s32 s13, $0x4E00;
	_ =	swait.ge [sflag:s10], $0x1000  }
.Ltmp0:
0x1b: {  	[sflag:s10] =	ssyncset.done $0x0;
	(pc) =	sbr.rel @p0 .LBB2_2-.Ltmp0, $4  }
0x1c: {  	s13 =	sadd.s32 s12, s6;
	s12 =	smov.u32 s15;
	[sflag:s10] =	ssyncadd.s32 $0xFFFFF000  }
0x1d: {  	[hbm4b:s13+s2] =	stream.linear.scatter [tilespmem:s9], [sflag:$0x2], $0x1000, $0x38;
	[tilespmem:$0x2400] =	vst v63  }
0x1e: {  	_ =	swait.ge [sflag:s7], $0x1000  }
0x1f: {  	s13 =	smov.u32 s16;
	[sflag:s7] =	ssyncset.done $0x0  }
0x20: {  	s13 =	sshra.s32 s12, $0x2;
	[sflag:s7] =	ssyncadd.s32 $0xFFFFF000  }
0x21: {  	[tilespmem:s9], [sflag:$0x1] =	stream.indirect.gather [hbm4b:s3+s8], $0x20, s13, s8, $0xb8;
	[tilespmem:$0x2400] =	vst v63  }
0x22: {  	s11 =	sadd.s32 $0x1, s11;
	_ =	swait.ge [sflag:s10], $0x1000  }
0x23: {  	p0 =	sne.s32 s11, s5;
	[sflag:s10] =	ssyncset.done $0x0  }
.Ltmp1:
0x24: {  	s31 =	sadd.s32 s12, s6;
	[sflag:s10] =	ssyncadd.s32 $0xFFFFF000;
	(pc) =	sbr.rel @p0 .LBB2_1-.Ltmp1, $4  }
0x25: {  	[hbm4b:s31+s2] =	stream.linear.scatter [tilespmem:s9], [sflag:$0x2], $0x1000, $0x38;
	[tilespmem:$0x2400] =	vst v63  }
0x26: {  	_ =	swait.ge [sflag:s7], $0x1000  }
0x27: {  	[sflag:s7] =	ssyncset.done $0x0  }
0x28: {  	[sflag:s7] =	ssyncadd.s32 $0xFFFFF000  }
0x29: {  	_ =	sfence.sel $0x180000  }
0x2a: {  	[bflag:$0x0] =	sbarrier.arrive $0xFFFF  }
0x2b: {  	p0 =	sne.s32 s1, $0x0;
	_ =	strace $0x90000047  }
0x2c: {  	s0 =	sadd.s32 @!p0 $0x100000, s0;
	[bflag:$0x2] =	sbarrier.arrive $0xFFFF  }
0x2d: {  	[sflag:s0] =	ssyncadd.tile.s32 @!p0 $0x1;
	_ =	shalt  }
.Lfunc_end2:
_tile_overlayer_lowered:
.L_overlay_start_2:
0x2e: {  	(tag) =	ssettag $0x2  }
0x2f: {  	s0 =	rddreg [dreg:$0x0];
	s2 =	stileid.u32  }
0x30: {  	s1 =	rddreg [dreg:$0x1];
	p0 =	sne.s32 s2, $0x0  }
0x31: {  	s3 =	rddreg [dreg:$0x2];
	[bflag:$0x3] =	sbarrier.arrive $0xFFFF;
	s2 =	simm.s32 @!p0 $0x1C02  }
0x32: {  	[timem:s3], [sflag:s2] =	dma.local @!p0 [hbm:s0], s1  }
0x33: {  	s0 =	simm.s32 @!p0 $0x2  }
0x34: {  	_ =	swait.ge @!p0 [sflag:s0], s1  }
0x35: {  	s1 =	ssub.s32 @!p0 $0x0, s1;
	[sflag:s0] =	ssyncset.done @!p0 $0x0  }
0x36: {  	[sflag:s0] =	ssyncadd.s32 @!p0 s1  }
0x37: {  	[bflag:$0x3] =	sbarrier.arrive $0xFFFF  }
0x38: {  	_ =	shalt  }

</sc_bundles>
